<compile_context>
chip_gen: v7x
topology: tpu7x:2x2x1
jax: 0.10.2.dev20260603
libtpu: 0.0.44.dev20260713+nightly
codegen_flags: <defaults>
</compile_context>

<pallas_src>
import jax
import jax.numpy as jnp
from jax import lax
from jax.experimental import pallas as pl
from jax.experimental.pallas import tpu as pltpu
from jax.experimental.pallas import tpu_sc as plsc

_W = 4
_NW = 32


def kernel(x, table):
    b, t = x.shape
    v, d = table.shape
    n = b * t
    k_per_w = n // _NW
    nc = k_per_w // _W
    t_per_w = t // (_NW // b)
    mesh = plsc.VectorSubcoreMesh(core_axis_name="core",
                                  subcore_axis_name="subcore")

    xp = jnp.zeros((n // _W, 8), jnp.int32)
    xp = xp.at[:, :_W].set(x.reshape(n // _W, _W).astype(jnp.int32))
    xp = xp.reshape(-1)

    nbuf = 3

    @pl.kernel(
        out_type=jax.ShapeDtypeStruct((b, t, d), table.dtype),
        mesh=mesh,
        scratch_types=[
            pltpu.VMEM((nc * 8,), jnp.int32),
            [pltpu.VMEM((_W, d), jnp.float32) for _ in range(nbuf)],
            [pltpu.SemaphoreType.DMA for _ in range(nbuf)],
            [pltpu.SemaphoreType.DMA for _ in range(nbuf)],
            pltpu.SemaphoreType.DMA,
        ],
    )
    def k(table_hbm, i_hbm, o_hbm, idx_v, bufs, gs, ws, isem):
        cid = lax.axis_index("core")
        sid = lax.axis_index("subcore")
        wid = sid * 2 + cid
        bq = wid // (_NW // b)
        t0 = (wid % (_NW // b)) * t_per_w
        pltpu.async_copy(i_hbm.at[pl.ds(wid * nc * 8, nc * 8)], idx_v,
                         isem).wait()

        def gather(c, u):
            pltpu.async_copy(
                table_hbm.at[idx_v.at[pl.ds(c * 8, _W)]], bufs[u], gs[u])

        def write(c, u):
            pltpu.async_copy(
                bufs[u], o_hbm.at[bq, pl.ds(t0 + c * _W, _W)], ws[u])

        for u in range(nbuf):
            gather(u, u)

        @pl.loop(0, nc + (-nc) % nbuf, step=nbuf)
        def _(j):
            for u in range(nbuf):
                c = j + u

                @pl.when(c < nc)
                def _(c=c, u=u):
                    pltpu.make_async_copy(
                        table_hbm.at[idx_v.at[pl.ds(c * 8, _W)]], bufs[u],
                        gs[u]).wait()
                    write(c, u)

            for u in range(nbuf):
                c = j + u

                @pl.when(c < nc)
                def _(c=c, u=u):
                    pltpu.make_async_copy(
                        bufs[u], o_hbm.at[bq, pl.ds(t0 + c * _W, _W)],
                        ws[u]).wait()

                    @pl.when(c + nbuf < nc)
                    def _():
                        gather(c + nbuf, u)

    return k(table, xp)

# --- scband reference (transcript-rebuilt; emitter-appended) ---
"""Pipeline reference for scband-bigram-language-model-7499012899308 (READ-ONLY COPY).

The authoritative reference and input builder live on the scoring server;
editing this copy changes nothing except your own understanding.
"""

import jax, jax.numpy as jnp
import numpy as np

VOCAB = 8192
B, T = 4, 2048


def setup_inputs(seed: int = 0) -> dict:
    key = jax.random.key(seed)
    k1, k2 = jax.random.split(key)
    x = jax.random.randint(k1, (B, T), 0, VOCAB)
    # nn.Embedding default init: N(0, 1)
    table = jax.random.normal(k2, (VOCAB, VOCAB), dtype=jnp.float32)
    return {"x": x, "table": table}


def reference(x, table):
    # BigramLanguageModel.forward: logits = token_embedding(x)
    logits = jnp.take(table, x, axis=0)  # [B, T, VOCAB]
    return logits

if __name__ == "__main__":
    import jax
    _d = setup_inputs()
    print(jax.jit(kernel)(*tuple(_d.values())))

</pallas_src>

<mosaic_0001>
#map = affine_map<(d0, d1) -> (0, 0)>
#map1 = affine_map<(d0, d1) -> (0)>
#map2 = affine_map<(d0, d1) -> (0, 0, 0)>
module attributes {stable_mosaic.version = 14 : i64} {
  func.func @k(%arg0: i32, %arg1: i32, %arg2: memref<8192x8192xf32, #tpu.memory_space<hbm>>, %arg3: memref<16384xi32, #tpu.memory_space<hbm>>, %arg4: memref<4x2048x8192xf32, #tpu.memory_space<hbm>>, %arg5: memref<512xi32, #tpu.memory_space<vmem>>, %arg6: memref<4x8192xf32, #tpu.memory_space<vmem>>, %arg7: memref<4x8192xf32, #tpu.memory_space<vmem>>, %arg8: memref<4x8192xf32, #tpu.memory_space<vmem>>, %arg9: memref<!tpu.dma_semaphore, #tpu.memory_space<semaphore_mem>>, %arg10: memref<!tpu.dma_semaphore, #tpu.memory_space<semaphore_mem>>, %arg11: memref<!tpu.dma_semaphore, #tpu.memory_space<semaphore_mem>>, %arg12: memref<!tpu.dma_semaphore, #tpu.memory_space<semaphore_mem>>, %arg13: memref<!tpu.dma_semaphore, #tpu.memory_space<semaphore_mem>>, %arg14: memref<!tpu.dma_semaphore, #tpu.memory_space<semaphore_mem>>, %arg15: memref<!tpu.dma_semaphore, #tpu.memory_space<semaphore_mem>>) attributes {dimension_semantics = [#tpu.dimension_semantics<core_parallel>, #tpu.dimension_semantics<subcore_parallel>], iteration_bounds = array<i64: 2, 16>, scalar_prefetch = 0 : i64, scratch_operands = 11 : i64, tpu.core_type = #tpu.core_type<sc_vector_subcore>, window_params = [{transform_indices = #map}, {transform_indices = #map1}, {transform_indices = #map2}]} {
    %mul3A = arith.constant 2 : i32
    %mul3A_0 = arith.muli %arg1, %mul3A : i32
    %add3A = arith.addi %mul3A_0, %arg0 : i32
    %jit3A = arith.constant 8 : i32
    %div3A = arith.divsi %add3A, %jit3A : i32
    %sign3A = arith.constant 0 : i32
    %sign3A_1 = arith.cmpi sgt, %add3A, %sign3A : i32
    %sign3A_2 = arith.extui %sign3A_1 : i1 to i32
    %sign3A_3 = arith.constant 0 : i32
    %sign3A_4 = arith.cmpi slt, %add3A, %sign3A_3 : i32
    %sign3A_5 = arith.extui %sign3A_4 : i1 to i32
    %sign3A_6 = arith.subi %sign3A_2, %sign3A_5 : i32
    %sign3A_7 = arith.constant 0 : i32
    %sign3A_8 = arith.cmpi sgt, %jit3A, %sign3A_7 : i32
    %sign3A_9 = arith.extui %sign3A_8 : i1 to i32
    %sign3A_10 = arith.constant 0 : i32
    %sign3A_11 = arith.cmpi slt, %jit3A, %sign3A_10 : i32
    %sign3A_12 = arith.extui %sign3A_11 : i1 to i32
    %sign3A_13 = arith.subi %sign3A_9, %sign3A_12 : i32
    %ne3A = arith.cmpi ne, %sign3A_6, %sign3A_13 : i32
    %rem3A = arith.remsi %add3A, %jit3A : i32
    %ne3A_14 = arith.constant 0 : i32
    %ne3A_15 = arith.cmpi ne, %rem3A, %ne3A_14 : i32
    %and3A = arith.andi %ne3A, %ne3A_15 : i1
    %sub3A = arith.constant 1 : i32
    %sub3A_16 = arith.subi %div3A, %sub3A : i32
    %select_n3A = arith.select %and3A, %sub3A_16, %div3A : i32
    %jit3A_17 = arith.constant 8 : i32
    %eq3A = arith.constant 0 : i32
    %eq3A_18 = arith.cmpi eq, %jit3A_17, %eq3A : i32
    %jit3A_19 = arith.constant 1 : i32
    %select_n3A_20 = arith.select %eq3A_18, %jit3A_19, %jit3A_17 : i32
    %rem3A_21 = arith.remsi %add3A, %select_n3A_20 : i32
    %ne3A_22 = arith.constant 0 : i32
    %ne3A_23 = arith.cmpi ne, %rem3A_21, %ne3A_22 : i32
    %lt3A = arith.constant 0 : i32
    %lt3A_24 = arith.cmpi slt, %rem3A_21, %lt3A : i32
    %lt3A_25 = arith.constant 0 : i32
    %lt3A_26 = arith.cmpi slt, %select_n3A_20, %lt3A_25 : i32
    %ne3A_27 = arith.xori %lt3A_24, %lt3A_26 : i1
    %and3A_28 = arith.andi %ne3A_27, %ne3A_23 : i1
    %add3A_29 = arith.addi %rem3A_21, %select_n3A_20 : i32
    %select_n3A_30 = arith.select %and3A_28, %add3A_29, %rem3A_21 : i32
    %mul3A_31 = arith.constant 256 : i32
    %mul3A_32 = arith.muli %select_n3A_30, %mul3A_31 : i32
    %mul3A_33 = arith.constant 64 : i32
    %mul3A_34 = arith.muli %add3A, %mul3A_33 : i32
    %mul3A_35 = arith.constant 8 : i32
    %mul3A_36 = arith.muli %mul3A_34, %mul3A_35 : i32
    %dma_start3A = tpu.memref_slice %arg3[%mul3A_36] : memref<16384xi32, #tpu.memory_space<hbm>> -> memref<512xi32, #tpu.memory_space<hbm>>
    %dma_start3A_37 = tpu.memref_slice %arg3[%mul3A_36] : memref<16384xi32, #tpu.memory_space<hbm>> -> memref<512xi32, #tpu.memory_space<hbm>>
    tpu.enqueue_dma source(%dma_start3A_37 : memref<512xi32, #tpu.memory_space<hbm>>) target(%arg5 : memref<512xi32, #tpu.memory_space<vmem>>) target_semaphore(%arg15 : memref<!tpu.dma_semaphore, #tpu.memory_space<semaphore_mem>>)
    %dma_wait3A = tpu.memref_slice %arg3[%mul3A_36] : memref<16384xi32, #tpu.memory_space<hbm>> -> memref<512xi32, #tpu.memory_space<hbm>>
    %dma_wait3A_38 = tpu.memref_slice %arg3[%mul3A_36] : memref<16384xi32, #tpu.memory_space<hbm>> -> memref<512xi32, #tpu.memory_space<hbm>>
    tpu.wait_dma2 semaphore(%arg15 : memref<!tpu.dma_semaphore, #tpu.memory_space<semaphore_mem>>) src(%dma_wait3A_38 : memref<512xi32, #tpu.memory_space<hbm>>) dst(%arg5 : memref<512xi32, #tpu.memory_space<vmem>>)
    %dma_start3A_39 = arith.constant 0 : i32
    %dma_start3A_40 = tpu.memref_slice %arg5[%dma_start3A_39] : memref<512xi32, #tpu.memory_space<vmem>> -> memref<4xi32, #tpu.memory_space<vmem>>
    %dma_start3A_41 = arith.constant 0 : i32
    %dma_start3A_42 = arith.constant 0 : i32
    %dma_start3A_43 = tpu.memref_slice %arg2[%dma_start3A_41, %dma_start3A_42] : memref<8192x8192xf32, #tpu.memory_space<hbm>> -> memref<8192x8192xf32, #tpu.memory_space<hbm>>
    tpu.enqueue_indirect_dma source(%dma_start3A_43 : memref<8192x8192xf32, #tpu.memory_space<hbm>>) target(%arg6 : memref<4x8192xf32, #tpu.memory_space<vmem>>) offsets(%dma_start3A_40 : memref<4xi32, #tpu.memory_space<vmem>>) semaphore(%arg9 : memref<!tpu.dma_semaphore, #tpu.memory_space<semaphore_mem>>)
    %dma_start3A_44 = arith.constant 8 : i32
    %dma_start3A_45 = tpu.memref_slice %arg5[%dma_start3A_44] : memref<512xi32, #tpu.memory_space<vmem>> -> memref<4xi32, #tpu.memory_space<vmem>>
    %dma_start3A_46 = arith.constant 0 : i32
    %dma_start3A_47 = arith.constant 0 : i32
    %dma_start3A_48 = tpu.memref_slice %arg2[%dma_start3A_46, %dma_start3A_47] : memref<8192x8192xf32, #tpu.memory_space<hbm>> -> memref<8192x8192xf32, #tpu.memory_space<hbm>>
    tpu.enqueue_indirect_dma source(%dma_start3A_48 : memref<8192x8192xf32, #tpu.memory_space<hbm>>) target(%arg7 : memref<4x8192xf32, #tpu.memory_space<vmem>>) offsets(%dma_start3A_45 : memref<4xi32, #tpu.memory_space<vmem>>) semaphore(%arg10 : memref<!tpu.dma_semaphore, #tpu.memory_space<semaphore_mem>>)
    %dma_start3A_49 = arith.constant 16 : i32
    %dma_start3A_50 = tpu.memref_slice %arg5[%dma_start3A_49] : memref<512xi32, #tpu.memory_space<vmem>> -> memref<4xi32, #tpu.memory_space<vmem>>
    %dma_start3A_51 = arith.constant 0 : i32
    %dma_start3A_52 = arith.constant 0 : i32
    %dma_start3A_53 = tpu.memref_slice %arg2[%dma_start3A_51, %dma_start3A_52] : memref<8192x8192xf32, #tpu.memory_space<hbm>> -> memref<8192x8192xf32, #tpu.memory_space<hbm>>
    tpu.enqueue_indirect_dma source(%dma_start3A_53 : memref<8192x8192xf32, #tpu.memory_space<hbm>>) target(%arg8 : memref<4x8192xf32, #tpu.memory_space<vmem>>) offsets(%dma_start3A_50 : memref<4xi32, #tpu.memory_space<vmem>>) semaphore(%arg11 : memref<!tpu.dma_semaphore, #tpu.memory_space<semaphore_mem>>)
    %scan3A = arith.constant 0 : i32
    %scan3A_54 = arith.constant 22 : i32
    %scan3A_55 = arith.addi %scan3A, %scan3A_54 : i32
    %scan3A_56 = arith.constant 1 : i32
    scf.for %scan3A_58 = %scan3A to %scan3A_55 step %scan3A_56  : i32 {
      %mul3A_59 = arith.constant 3 : i32
      %mul3A_60 = arith.muli %scan3A_58, %mul3A_59 : i32
      %add3A_61 = arith.constant 0 : i32
      %add3A_62 = arith.addi %add3A_61, %mul3A_60 : i32
      %add3A_63 = arith.constant 0 : i32
      %add3A_64 = arith.addi %add3A_62, %add3A_63 : i32
      %lt3A_65 = arith.constant 64 : i32
      %lt3A_66 = arith.cmpi slt, %add3A_64, %lt3A_65 : i32
      %convert_element_type3A = arith.extui %lt3A_66 : i1 to i32
      %cond3A = arith.constant 0 : i32
      %cond3A_67 = arith.cmpi ne, %convert_element_type3A, %cond3A : i32
      scf.if %cond3A_67 {
        %mul3A_103 = arith.constant 8 : i32
        %mul3A_104 = arith.muli %add3A_64, %mul3A_103 : i32
        %dma_wait3A_105 = tpu.memref_slice %arg5[%mul3A_104] : memref<512xi32, #tpu.memory_space<vmem>> -> memref<4xi32, #tpu.memory_space<vmem>>
        %dma_wait3A_106 = arith.constant 0 : i32
        %dma_wait3A_107 = arith.constant 0 : i32
        %dma_wait3A_108 = tpu.memref_slice %arg2[%dma_wait3A_106, %dma_wait3A_107] : memref<8192x8192xf32, #tpu.memory_space<hbm>> -> memref<8192x8192xf32, #tpu.memory_space<hbm>>
        tpu.wait_indirect_dma semaphore(%arg9 : memref<!tpu.dma_semaphore, #tpu.memory_space<semaphore_mem>>) src(%dma_wait3A_108 : memref<8192x8192xf32, #tpu.memory_space<hbm>>) dst(%arg6 : memref<4x8192xf32, #tpu.memory_space<vmem>>)
        %mul3A_109 = arith.constant 4 : i32
        %mul3A_110 = arith.muli %add3A_64, %mul3A_109 : i32
        %add3A_111 = arith.addi %mul3A_32, %mul3A_110 : i32
        %dma_start3A_112 = arith.constant 0 : i32
        %dma_start3A_113 = tpu.memref_slice %arg4[%select_n3A, %add3A_111, %dma_start3A_112] : memref<4x2048x8192xf32, #tpu.memory_space<hbm>> -> memref<1x4x8192xf32, #tpu.memory_space<hbm>>
        %dma_start3A_114 = tpu.memref_squeeze %dma_start3A_113 : memref<1x4x8192xf32, #tpu.memory_space<hbm>> -> memref<4x8192xf32, #tpu.memory_space<hbm>>
        %dma_start3A_115 = arith.constant 0 : i32
        %dma_start3A_116 = tpu.memref_slice %arg4[%select_n3A, %add3A_111, %dma_start3A_115] : memref<4x2048x8192xf32, #tpu.memory_space<hbm>> -> memref<1x4x8192xf32, #tpu.memory_space<hbm>>
        %dma_start3A_117 = tpu.memref_squeeze %dma_start3A_116 : memref<1x4x8192xf32, #tpu.memory_space<hbm>> -> memref<4x8192xf32, #tpu.memory_space<hbm>>
        tpu.enqueue_dma source(%arg6 : memref<4x8192xf32, #tpu.memory_space<vmem>>) target(%dma_start3A_117 : memref<4x8192xf32, #tpu.memory_space<hbm>>) target_semaphore(%arg12 : memref<!tpu.dma_semaphore, #tpu.memory_space<semaphore_mem>>)
      } else {
      }
      %add3A_68 = arith.constant 1 : i32
      %add3A_69 = arith.addi %add3A_62, %add3A_68 : i32
      %lt3A_70 = arith.constant 64 : i32
      %lt3A_71 = arith.cmpi slt, %add3A_69, %lt3A_70 : i32
      %convert_element_type3A_72 = arith.extui %lt3A_71 : i1 to i32
      %cond3A_73 = arith.constant 0 : i32
      %cond3A_74 = arith.cmpi ne, %convert_element_type3A_72, %cond3A_73 : i32
      scf.if %cond3A_74 {
        %mul3A_103 = arith.constant 8 : i32
        %mul3A_104 = arith.muli %add3A_69, %mul3A_103 : i32
        %dma_wait3A_105 = tpu.memref_slice %arg5[%mul3A_104] : memref<512xi32, #tpu.memory_space<vmem>> -> memref<4xi32, #tpu.memory_space<vmem>>
        %dma_wait3A_106 = arith.constant 0 : i32
        %dma_wait3A_107 = arith.constant 0 : i32
        %dma_wait3A_108 = tpu.memref_slice %arg2[%dma_wait3A_106, %dma_wait3A_107] : memref<8192x8192xf32, #tpu.memory_space<hbm>> -> memref<8192x8192xf32, #tpu.memory_space<hbm>>
        tpu.wait_indirect_dma semaphore(%arg10 : memref<!tpu.dma_semaphore, #tpu.memory_space<semaphore_mem>>) src(%dma_wait3A_108 : memref<8192x8192xf32, #tpu.memory_space<hbm>>) dst(%arg7 : memref<4x8192xf32, #tpu.memory_space<vmem>>)
        %mul3A_109 = arith.constant 4 : i32
        %mul3A_110 = arith.muli %add3A_69, %mul3A_109 : i32
        %add3A_111 = arith.addi %mul3A_32, %mul3A_110 : i32
        %dma_start3A_112 = arith.constant 0 : i32
        %dma_start3A_113 = tpu.memref_slice %arg4[%select_n3A, %add3A_111, %dma_start3A_112] : memref<4x2048x8192xf32, #tpu.memory_space<hbm>> -> memref<1x4x8192xf32, #tpu.memory_space<hbm>>
        %dma_start3A_114 = tpu.memref_squeeze %dma_start3A_113 : memref<1x4x8192xf32, #tpu.memory_space<hbm>> -> memref<4x8192xf32, #tpu.memory_space<hbm>>
        %dma_start3A_115 = arith.constant 0 : i32
        %dma_start3A_116 = tpu.memref_slice %arg4[%select_n3A, %add3A_111, %dma_start3A_115] : memref<4x2048x8192xf32, #tpu.memory_space<hbm>> -> memref<1x4x8192xf32, #tpu.memory_space<hbm>>
        %dma_start3A_117 = tpu.memref_squeeze %dma_start3A_116 : memref<1x4x8192xf32, #tpu.memory_space<hbm>> -> memref<4x8192xf32, #tpu.memory_space<hbm>>
        tpu.enqueue_dma source(%arg7 : memref<4x8192xf32, #tpu.memory_space<vmem>>) target(%dma_start3A_117 : memref<4x8192xf32, #tpu.memory_space<hbm>>) target_semaphore(%arg13 : memref<!tpu.dma_semaphore, #tpu.memory_space<semaphore_mem>>)
      } else {
      }
      %add3A_75 = arith.constant 2 : i32
      %add3A_76 = arith.addi %add3A_62, %add3A_75 : i32
      %lt3A_77 = arith.constant 64 : i32
      %lt3A_78 = arith.cmpi slt, %add3A_76, %lt3A_77 : i32
      %convert_element_type3A_79 = arith.extui %lt3A_78 : i1 to i32
      %cond3A_80 = arith.constant 0 : i32
      %cond3A_81 = arith.cmpi ne, %convert_element_type3A_79, %cond3A_80 : i32
      scf.if %cond3A_81 {
        %mul3A_103 = arith.constant 8 : i32
        %mul3A_104 = arith.muli %add3A_76, %mul3A_103 : i32
        %dma_wait3A_105 = tpu.memref_slice %arg5[%mul3A_104] : memref<512xi32, #tpu.memory_space<vmem>> -> memref<4xi32, #tpu.memory_space<vmem>>
        %dma_wait3A_106 = arith.constant 0 : i32
        %dma_wait3A_107 = arith.constant 0 : i32
        %dma_wait3A_108 = tpu.memref_slice %arg2[%dma_wait3A_106, %dma_wait3A_107] : memref<8192x8192xf32, #tpu.memory_space<hbm>> -> memref<8192x8192xf32, #tpu.memory_space<hbm>>
        tpu.wait_indirect_dma semaphore(%arg11 : memref<!tpu.dma_semaphore, #tpu.memory_space<semaphore_mem>>) src(%dma_wait3A_108 : memref<8192x8192xf32, #tpu.memory_space<hbm>>) dst(%arg8 : memref<4x8192xf32, #tpu.memory_space<vmem>>)
        %mul3A_109 = arith.constant 4 : i32
        %mul3A_110 = arith.muli %add3A_76, %mul3A_109 : i32
        %add3A_111 = arith.addi %mul3A_32, %mul3A_110 : i32
        %dma_start3A_112 = arith.constant 0 : i32
        %dma_start3A_113 = tpu.memref_slice %arg4[%select_n3A, %add3A_111, %dma_start3A_112] : memref<4x2048x8192xf32, #tpu.memory_space<hbm>> -> memref<1x4x8192xf32, #tpu.memory_space<hbm>>
        %dma_start3A_114 = tpu.memref_squeeze %dma_start3A_113 : memref<1x4x8192xf32, #tpu.memory_space<hbm>> -> memref<4x8192xf32, #tpu.memory_space<hbm>>
        %dma_start3A_115 = arith.constant 0 : i32
        %dma_start3A_116 = tpu.memref_slice %arg4[%select_n3A, %add3A_111, %dma_start3A_115] : memref<4x2048x8192xf32, #tpu.memory_space<hbm>> -> memref<1x4x8192xf32, #tpu.memory_space<hbm>>
        %dma_start3A_117 = tpu.memref_squeeze %dma_start3A_116 : memref<1x4x8192xf32, #tpu.memory_space<hbm>> -> memref<4x8192xf32, #tpu.memory_space<hbm>>
        tpu.enqueue_dma source(%arg8 : memref<4x8192xf32, #tpu.memory_space<vmem>>) target(%dma_start3A_117 : memref<4x8192xf32, #tpu.memory_space<hbm>>) target_semaphore(%arg14 : memref<!tpu.dma_semaphore, #tpu.memory_space<semaphore_mem>>)
      } else {
      }
      %add3A_82 = arith.constant 0 : i32
      %add3A_83 = arith.addi %add3A_62, %add3A_82 : i32
      %lt3A_84 = arith.constant 64 : i32
      %lt3A_85 = arith.cmpi slt, %add3A_83, %lt3A_84 : i32
      %convert_element_type3A_86 = arith.extui %lt3A_85 : i1 to i32
      %cond3A_87 = arith.constant 0 : i32
      %cond3A_88 = arith.cmpi ne, %convert_element_type3A_86, %cond3A_87 : i32
      scf.if %cond3A_88 {
        %mul3A_103 = arith.constant 4 : i32
        %mul3A_104 = arith.muli %add3A_83, %mul3A_103 : i32
        %add3A_105 = arith.addi %mul3A_32, %mul3A_104 : i32
        %dma_wait3A_106 = arith.constant 0 : i32
        %dma_wait3A_107 = tpu.memref_slice %arg4[%select_n3A, %add3A_105, %dma_wait3A_106] : memref<4x2048x8192xf32, #tpu.memory_space<hbm>> -> memref<1x4x8192xf32, #tpu.memory_space<hbm>>
        %dma_wait3A_108 = tpu.memref_squeeze %dma_wait3A_107 : memref<1x4x8192xf32, #tpu.memory_space<hbm>> -> memref<4x8192xf32, #tpu.memory_space<hbm>>
        %dma_wait3A_109 = arith.constant 0 : i32
        %dma_wait3A_110 = tpu.memref_slice %arg4[%select_n3A, %add3A_105, %dma_wait3A_109] : memref<4x2048x8192xf32, #tpu.memory_space<hbm>> -> memref<1x4x8192xf32, #tpu.memory_space<hbm>>
        %dma_wait3A_111 = tpu.memref_squeeze %dma_wait3A_110 : memref<1x4x8192xf32, #tpu.memory_space<hbm>> -> memref<4x8192xf32, #tpu.memory_space<hbm>>
        tpu.wait_dma2 semaphore(%arg12 : memref<!tpu.dma_semaphore, #tpu.memory_space<semaphore_mem>>) src(%arg6 : memref<4x8192xf32, #tpu.memory_space<vmem>>) dst(%dma_wait3A_111 : memref<4x8192xf32, #tpu.memory_space<hbm>>)
        %add3A_112 = arith.constant 3 : i32
        %add3A_113 = arith.addi %add3A_83, %add3A_112 : i32
        %lt3A_114 = arith.constant 64 : i32
        %lt3A_115 = arith.cmpi slt, %add3A_113, %lt3A_114 : i32
        %convert_element_type3A_116 = arith.extui %lt3A_115 : i1 to i32
        %cond3A_117 = arith.constant 0 : i32
        %cond3A_118 = arith.cmpi ne, %convert_element_type3A_116, %cond3A_117 : i32
        scf.if %cond3A_118 {
          %add3A_119 = arith.constant 3 : i32
          %add3A_120 = arith.addi %add3A_83, %add3A_119 : i32
          %mul3A_121 = arith.constant 8 : i32
          %mul3A_122 = arith.muli %add3A_120, %mul3A_121 : i32
          %dma_start3A_123 = tpu.memref_slice %arg5[%mul3A_122] : memref<512xi32, #tpu.memory_space<vmem>> -> memref<4xi32, #tpu.memory_space<vmem>>
          %dma_start3A_124 = arith.constant 0 : i32
          %dma_start3A_125 = arith.constant 0 : i32
          %dma_start3A_126 = tpu.memref_slice %arg2[%dma_start3A_124, %dma_start3A_125] : memref<8192x8192xf32, #tpu.memory_space<hbm>> -> memref<8192x8192xf32, #tpu.memory_space<hbm>>
          tpu.enqueue_indirect_dma source(%dma_start3A_126 : memref<8192x8192xf32, #tpu.memory_space<hbm>>) target(%arg6 : memref<4x8192xf32, #tpu.memory_space<vmem>>) offsets(%dma_start3A_123 : memref<4xi32, #tpu.memory_space<vmem>>) semaphore(%arg9 : memref<!tpu.dma_semaphore, #tpu.memory_space<semaphore_mem>>)
        } else {
        }
      } else {
      }
      %add3A_89 = arith.constant 1 : i32
      %add3A_90 = arith.addi %add3A_62, %add3A_89 : i32
      %lt3A_91 = arith.constant 64 : i32
      %lt3A_92 = arith.cmpi slt, %add3A_90, %lt3A_91 : i32
      %convert_element_type3A_93 = arith.extui %lt3A_92 : i1 to i32
      %cond3A_94 = arith.constant 0 : i32
      %cond3A_95 = arith.cmpi ne, %convert_element_type3A_93, %cond3A_94 : i32
      scf.if %cond3A_95 {
        %mul3A_103 = arith.constant 4 : i32
        %mul3A_104 = arith.muli %add3A_90, %mul3A_103 : i32
        %add3A_105 = arith.addi %mul3A_32, %mul3A_104 : i32
        %dma_wait3A_106 = arith.constant 0 : i32
        %dma_wait3A_107 = tpu.memref_slice %arg4[%select_n3A, %add3A_105, %dma_wait3A_106] : memref<4x2048x8192xf32, #tpu.memory_space<hbm>> -> memref<1x4x8192xf32, #tpu.memory_space<hbm>>
        %dma_wait3A_108 = tpu.memref_squeeze %dma_wait3A_107 : memref<1x4x8192xf32, #tpu.memory_space<hbm>> -> memref<4x8192xf32, #tpu.memory_space<hbm>>
        %dma_wait3A_109 = arith.constant 0 : i32
        %dma_wait3A_110 = tpu.memref_slice %arg4[%select_n3A, %add3A_105, %dma_wait3A_109] : memref<4x2048x8192xf32, #tpu.memory_space<hbm>> -> memref<1x4x8192xf32, #tpu.memory_space<hbm>>
        %dma_wait3A_111 = tpu.memref_squeeze %dma_wait3A_110 : memref<1x4x8192xf32, #tpu.memory_space<hbm>> -> memref<4x8192xf32, #tpu.memory_space<hbm>>
        tpu.wait_dma2 semaphore(%arg13 : memref<!tpu.dma_semaphore, #tpu.memory_space<semaphore_mem>>) src(%arg7 : memref<4x8192xf32, #tpu.memory_space<vmem>>) dst(%dma_wait3A_111 : memref<4x8192xf32, #tpu.memory_space<hbm>>)
        %add3A_112 = arith.constant 3 : i32
        %add3A_113 = arith.addi %add3A_90, %add3A_112 : i32
        %lt3A_114 = arith.constant 64 : i32
        %lt3A_115 = arith.cmpi slt, %add3A_113, %lt3A_114 : i32
        %convert_element_type3A_116 = arith.extui %lt3A_115 : i1 to i32
        %cond3A_117 = arith.constant 0 : i32
        %cond3A_118 = arith.cmpi ne, %convert_element_type3A_116, %cond3A_117 : i32
        scf.if %cond3A_118 {
          %add3A_119 = arith.constant 3 : i32
          %add3A_120 = arith.addi %add3A_90, %add3A_119 : i32
          %mul3A_121 = arith.constant 8 : i32
          %mul3A_122 = arith.muli %add3A_120, %mul3A_121 : i32
          %dma_start3A_123 = tpu.memref_slice %arg5[%mul3A_122] : memref<512xi32, #tpu.memory_space<vmem>> -> memref<4xi32, #tpu.memory_space<vmem>>
          %dma_start3A_124 = arith.constant 0 : i32
          %dma_start3A_125 = arith.constant 0 : i32
          %dma_start3A_126 = tpu.memref_slice %arg2[%dma_start3A_124, %dma_start3A_125] : memref<8192x8192xf32, #tpu.memory_space<hbm>> -> memref<8192x8192xf32, #tpu.memory_space<hbm>>
          tpu.enqueue_indirect_dma source(%dma_start3A_126 : memref<8192x8192xf32, #tpu.memory_space<hbm>>) target(%arg7 : memref<4x8192xf32, #tpu.memory_space<vmem>>) offsets(%dma_start3A_123 : memref<4xi32, #tpu.memory_space<vmem>>) semaphore(%arg10 : memref<!tpu.dma_semaphore, #tpu.memory_space<semaphore_mem>>)
        } else {
        }
      } else {
      }
      %add3A_96 = arith.constant 2 : i32
      %add3A_97 = arith.addi %add3A_62, %add3A_96 : i32
      %lt3A_98 = arith.constant 64 : i32
      %lt3A_99 = arith.cmpi slt, %add3A_97, %lt3A_98 : i32
      %convert_element_type3A_100 = arith.extui %lt3A_99 : i1 to i32
      %cond3A_101 = arith.constant 0 : i32
      %cond3A_102 = arith.cmpi ne, %convert_element_type3A_100, %cond3A_101 : i32
      scf.if %cond3A_102 {
        %mul3A_103 = arith.constant 4 : i32
        %mul3A_104 = arith.muli %add3A_97, %mul3A_103 : i32
        %add3A_105 = arith.addi %mul3A_32, %mul3A_104 : i32
        %dma_wait3A_106 = arith.constant 0 : i32
        %dma_wait3A_107 = tpu.memref_slice %arg4[%select_n3A, %add3A_105, %dma_wait3A_106] : memref<4x2048x8192xf32, #tpu.memory_space<hbm>> -> memref<1x4x8192xf32, #tpu.memory_space<hbm>>
        %dma_wait3A_108 = tpu.memref_squeeze %dma_wait3A_107 : memref<1x4x8192xf32, #tpu.memory_space<hbm>> -> memref<4x8192xf32, #tpu.memory_space<hbm>>
        %dma_wait3A_109 = arith.constant 0 : i32
        %dma_wait3A_110 = tpu.memref_slice %arg4[%select_n3A, %add3A_105, %dma_wait3A_109] : memref<4x2048x8192xf32, #tpu.memory_space<hbm>> -> memref<1x4x8192xf32, #tpu.memory_space<hbm>>
        %dma_wait3A_111 = tpu.memref_squeeze %dma_wait3A_110 : memref<1x4x8192xf32, #tpu.memory_space<hbm>> -> memref<4x8192xf32, #tpu.memory_space<hbm>>
        tpu.wait_dma2 semaphore(%arg14 : memref<!tpu.dma_semaphore, #tpu.memory_space<semaphore_mem>>) src(%arg8 : memref<4x8192xf32, #tpu.memory_space<vmem>>) dst(%dma_wait3A_111 : memref<4x8192xf32, #tpu.memory_space<hbm>>)
        %add3A_112 = arith.constant 3 : i32
        %add3A_113 = arith.addi %add3A_97, %add3A_112 : i32
        %lt3A_114 = arith.constant 64 : i32
        %lt3A_115 = arith.cmpi slt, %add3A_113, %lt3A_114 : i32
        %convert_element_type3A_116 = arith.extui %lt3A_115 : i1 to i32
        %cond3A_117 = arith.constant 0 : i32
        %cond3A_118 = arith.cmpi ne, %convert_element_type3A_116, %cond3A_117 : i32
        scf.if %cond3A_118 {
          %add3A_119 = arith.constant 3 : i32
          %add3A_120 = arith.addi %add3A_97, %add3A_119 : i32
          %mul3A_121 = arith.constant 8 : i32
          %mul3A_122 = arith.muli %add3A_120, %mul3A_121 : i32
          %dma_start3A_123 = tpu.memref_slice %arg5[%mul3A_122] : memref<512xi32, #tpu.memory_space<vmem>> -> memref<4xi32, #tpu.memory_space<vmem>>
          %dma_start3A_124 = arith.constant 0 : i32
          %dma_start3A_125 = arith.constant 0 : i32
          %dma_start3A_126 = tpu.memref_slice %arg2[%dma_start3A_124, %dma_start3A_125] : memref<8192x8192xf32, #tpu.memory_space<hbm>> -> memref<8192x8192xf32, #tpu.memory_space<hbm>>
          tpu.enqueue_indirect_dma source(%dma_start3A_126 : memref<8192x8192xf32, #tpu.memory_space<hbm>>) target(%arg8 : memref<4x8192xf32, #tpu.memory_space<vmem>>) offsets(%dma_start3A_123 : memref<4xi32, #tpu.memory_space<vmem>>) semaphore(%arg11 : memref<!tpu.dma_semaphore, #tpu.memory_space<semaphore_mem>>)
        } else {
        }
      } else {
      }
    }
    %scan3A_57 = arith.constant 22 : i32
    return
  }
}

</mosaic_0001>

<sc_bundles>
// kernel: kernel.3.cloned.1.call-start
scs
__scs_entry_jumppad:
0x0: {  	(pc) =	sbr.rel $0x88, $3  }
0x1: {  	(tag) =	ssettag $0x0;
	lr =	simm.s32 $0x1  }
0x2: {  	[smem:$0x3F9F] =	sst lr;
	_ =	strace $0xD0000000  }
0x3: {  	_ = 	snop  }
0x4: {  	_ = 	snop  }
0x5: {  	_ = 	snop  }
0x6: {  	_ = 	snop  }
0x7: {  	_ = 	snop  }
__scs_overlays_trampoline_lowered:
0x8: {  	[smem:$0x3FAE] =	sst s0  }
0x9: {  	[smem:$0x3FAF] =	sst s1  }
0xa: {  	[smem:$0x3FB0] =	sst s2  }
0xb: {  	[smem:$0x3FB1] =	sst s3  }
0xc: {  	[smem:$0x3FB2] =	sst s4  }
0xd: {  	[smem:$0x3FB3] =	sst s5  }
0xe: {  	[smem:$0x3FB4] =	sst s6  }
0xf: {  	[smem:$0x3FB5] =	sst s7  }
0x10: {  	[smem:$0x3FB6] =	sst s8  }
0x11: {  	[smem:$0x3FB7] =	sst s9;
	s0 =	simm.s32 @!p0 $0x0  }
0x12: {  	s1 =	sld [smem:$0x3F9D];
	s0 =	simm.s32 @p0 $0x1  }
0x13: {  	[smem:$0x3FB8] =	sst s0;
	s0 =	simm.s32 @!p1 $0x0  }
0x14: {  	s2 =	sld [smem:$0x3F9C];
	s0 =	simm.s32 @p1 $0x1  }
0x15: {  	[smem:$0x3FB9] =	sst s0;
	s0 =	simm.s32 @!p2 $0x0  }
0x16: {  	s3 =	sld [smem:$0x3FDB];
	s0 =	simm.s32 @p2 $0x1  }
0x17: {  	s4 =	simm.s32 $0x1BF5;
	[smem:$0x3FBB] =	sst s0  }
0x18: {  	s0 =	sld [smem:$0x3F9E];
	_ =	swait.ge [sflag:s4], $0x0  }
0x19: {  	s7 =	sld [smem:$0x3F9F]  }
0x1a: {  	s8 =	sadd.s32 $0xFFFFE003, lr  }
0x1b: {  	s9 =	sadd.s32 $0xFFFFFEF7, lr;
	s5 =	simm.s32 $0xFFFFFFFF;
	p2 =	slt.u32 s8, $0xFFFFF086  }
0x1c: {  	p1 =	slt.u32 s9, $0xF7A;
	s5 =	simm.s32 @!p2 $0x0  }
0x1d: {  	s5 =	simm.s32 @p1 $0x1;
	p0 =	seq.s32 s7, s2  }
0x1e: {  	s7 =	smul.u32 @!p0 $0xF7A, s2;
	p2 =	seq.s32 @!p0 s5, $0x0  }
0x1f: {  	s9 =	smul.u32 $0xF7A, s1;
	s8 =	simm.s32 @!p0 $0x1BF5;
	p2 =	por !p2, p0  }
0x20: {  	[sflag:s8] =	ssyncset.s32 @!p0 $0xFFFFF086;
	s6 =	sadd.s32 @!p0 s3, s7;
	s7 =	simm.s32 @!p0 $0x108  }
0x21: {  	s3 =	sadd.s32 s3, s9;
	s6 =	sadd.s32 @!p0 $0x88, s6;
	s7 =	simm.s32 @p2 $0x1082  }
0x22: {  	[simem:s7], [sflag:s8] =	dma.local @!p0 [hbm:s6], $0xF7A  }
0x23: {  	s9 =	sor.u32 $0xD0000000, s2;
	s6 =	simm.s32 $0x108;
	_ =	swait.ge @!p0 [sflag:s8], $0x0  }
0x24: {  	s3 =	sadd.s32 $0x88, s3;
	s6 =	simm.s32 @!p1 $0x1082;
	[sflag:s4] =	ssyncset.s32 $0xFFFFF086  }
0x25: {  	[simem:s6], [sflag:s4] =	dma.local [hbm:s3], $0xF7A  }
0x26: {  	[smem:$0x3F9F] =	sst s1;
	(tag) =	ssettag s2;
	_ =	strace s9  }
0x27: {  	s1 =	sld [smem:$0x3FAF]  }
0x28: {  	s2 =	sld [smem:$0x3FB0]  }
0x29: {  	s4 =	sld [smem:$0x3FB2]  }
0x2a: {  	p0 =	seq.s32 s5, $0x0;
	s5 =	sld [smem:$0x3FB3]  }
0x2b: {  	s6 =	sld [smem:$0x3FB4]  }
0x2c: {  	s7 =	sld [smem:$0x3FB5]  }
0x2d: {  	s3 =	simm.s32 $0x108;
	s8 =	sld [smem:$0x3FB6]  }
0x2e: {  	s3 =	simm.s32 @!p0 $0x1082;
	s9 =	sld [smem:$0x3FB7]  }
0x2f: {  	lr =	sadd.s32 s0, s3;
	s0 =	sld [smem:$0x3FAE]  }
0x30: {  	s3 =	sld [smem:$0x3FB1]  }
0x31: {  	[smem:$0x3FBA] =	sst s10  }
0x32: {  	s10 =	sld [smem:$0x3FB8];
	_ =	sdelay $0x3  }
0x33: {  	p0 =	seq.s32 s10, $0x1;
	s10 =	sld [smem:$0x3FBA];
	_ =	sdelay $0x3  }
0x34: {  	[smem:$0x3FBA] =	sst s10  }
0x35: {  	s10 =	sld [smem:$0x3FB9];
	_ =	sdelay $0x3  }
0x36: {  	p1 =	seq.s32 s10, $0x1;
	s10 =	sld [smem:$0x3FBA];
	_ =	sdelay $0x3  }
0x37: {  	[smem:$0x3FBA] =	sst s10  }
0x38: {  	s10 =	sld [smem:$0x3FBB]  }
0x39: {  	_ = 	snop;
	(pc) =	sbr.ind lr, $3  }
0x3a: {  	_ = 	snop  }
0x3b: {  	_ = 	snop  }
0x3c: {  	p2 =	seq.s32 s10, $0x1;
	s10 =	sld [smem:$0x3FBA]  }
0x3d: {  	_ =	shalt  }
0x3e: {  	_ =	shalt  }
0x3f: {  	_ =	shalt  }
0x40: {  	_ =	shalt  }
0x41: {  	_ =	shalt  }
0x42: {  	_ =	shalt  }
0x43: {  	_ =	shalt  }
0x44: {  	_ =	shalt  }
0x45: {  	_ =	shalt  }
0x46: {  	_ =	shalt  }
0x47: {  	_ =	shalt  }
0x48: {  	_ =	shalt  }
0x49: {  	_ =	shalt  }
0x4a: {  	_ =	shalt  }
0x4b: {  	_ =	shalt  }
0x4c: {  	_ =	shalt  }
0x4d: {  	_ =	shalt  }
0x4e: {  	_ =	shalt  }
0x4f: {  	_ =	shalt  }
0x50: {  	_ =	shalt  }
0x51: {  	_ =	shalt  }
0x52: {  	_ =	shalt  }
0x53: {  	_ =	shalt  }
0x54: {  	_ =	shalt  }
0x55: {  	_ =	shalt  }
0x56: {  	_ =	shalt  }
0x57: {  	_ =	shalt  }
0x58: {  	_ =	shalt  }
0x59: {  	_ =	shalt  }
0x5a: {  	_ =	shalt  }
0x5b: {  	_ =	shalt  }
0x5c: {  	_ =	shalt  }
0x5d: {  	_ =	shalt  }
0x5e: {  	_ =	shalt  }
0x5f: {  	_ =	shalt  }
0x60: {  	_ =	shalt  }
0x61: {  	_ =	shalt  }
0x62: {  	_ =	shalt  }
0x63: {  	_ =	shalt  }
0x64: {  	_ =	shalt  }
0x65: {  	_ =	shalt  }
0x66: {  	_ =	shalt  }
0x67: {  	_ =	shalt  }
0x68: {  	_ =	shalt  }
0x69: {  	_ =	shalt  }
0x6a: {  	_ =	shalt  }
0x6b: {  	_ =	shalt  }
0x6c: {  	_ =	shalt  }
0x6d: {  	_ =	shalt  }
0x6e: {  	_ =	shalt  }
0x6f: {  	_ =	shalt  }
0x70: {  	_ =	shalt  }
0x71: {  	_ =	shalt  }
0x72: {  	_ =	shalt  }
0x73: {  	_ =	shalt  }
0x74: {  	_ =	shalt  }
0x75: {  	_ =	shalt  }
0x76: {  	_ =	shalt  }
0x77: {  	_ =	shalt  }
0x78: {  	_ =	shalt  }
0x79: {  	_ =	shalt  }
0x7a: {  	_ =	shalt  }
0x7b: {  	_ =	shalt  }
0x7c: {  	_ =	shalt  }
0x7d: {  	_ =	shalt  }
0x7e: {  	_ =	shalt  }
0x7f: {  	_ =	shalt  }
0x80: {  	_ =	shalt  }
0x81: {  	_ =	shalt  }
0x82: {  	_ =	shalt  }
0x83: {  	_ =	shalt  }
0x84: {  	_ =	shalt  }
0x85: {  	_ =	shalt  }
0x86: {  	_ =	shalt  }
0x87: {  	_ =	shalt  }
.Lfunc_end0:
.L_simem_size_0:
called_computation_lowered:
.L_overlay_start_0:
0x88: {  	s2 =	sld [smem:$0x3FD9]  }
0x89: {  	s3 =	sld [smem:$0x3FFE];
	_ =	sdelay $0x1  }
0x8a: {  	s1 =	srdreg.scid  }
0x8b: {  	s0 =	sand.u32 $0x1, s1  }
0x8c: {  	s17 =	sshll.u32 s0, $0xA;
	s2 =	sadd.s32 s3, s2  }
0x8d: {  	s2 =	sadd.s32 s2, s17  }
0x8e: {  	[smem:$0x3FC6] =	sst s2  }
0x8f: {  	_ = 	snop  }
0x90: {  	s2 =	sld [smem:$0x3FC8]  }
0x91: {  	s18 =	sld [smem:$0x3FD0];
	(tm) =	ssettm $0x1  }
0x92: {  	s4 =	sld [smem:$0x3FFB];
	_ =	sdelay $0x3  }
0x93: {  	_ =	strace s4  }
0x94: {  	s4 =	sld [smem:$0x3FFC];
	_ =	sdelay $0x3  }
0x95: {  	_ =	strace s4  }
0x96: {  	s4 =	sld [smem:$0x3FFD];
	_ =	sdelay $0x3  }
0x97: {  	_ =	strace s4  }
0x98: {  	_ =	strace $0x8FFFFFFF  }
0x99: {  	s19 =	sld [smem:$0x3FDB];
	_ =	sdelay $0x1  }
0x9a: {  	s5 =	simm.s32 $_scs_section_size  }
0x9b: {  	s6 =	simm.s32 $_size__tile_overlayer_lowered;
	s7 =	simm.s32 $_tile_overlayer_lowered  }
0x9c: {  	s22 =	simm.s32 $0x1BFF;
	s21 =	sshll.u32 s7, $0x1;
	s4 =	sadd.s32 s5, s19  }
0x9d: {  	s8 =	simm.s32 $0x0;
	s20 =	sshll.u32 s6, $0x1;
	s6 =	sadd.s32 s21, s4  }
0x9e: {  	[timem:s8], [sflag:s22] =	dma.local [hbm:s6], s20  }
0x9f: {  	_ =	swait.ge [sflag:s22], s20  }
0xa0: {  	s5 =	ssub.s32 $0x0, s20;
	[sflag:s22] =	ssyncset.done $0x0  }
0xa1: {  	[sflag:s22] =	ssyncadd.s32 s5;
	_ =	sdelay $0x1  }
0xa2: {  	s23 =	simm.s32 $0x1B8B  }
0xa3: {  	_ =	swait.ge [sflag:s23], $0x1  }
0xa4: {  	[sflag:s23] =	ssyncset.done $0x0  }
0xa5: {  	s25 =	simm.s32 $0x1B8E;
	s24 =	sld [smem:$0x3FFE];
	[sflag:s23] =	ssyncadd.s32 $0xFFFFFFFF  }
0xa6: {  	s26 =	simm.s32 $execute0_lowered;
	[smem:$0x3FD2] =	sst s25  }
0xa7: {  	s6 =	sshll.u32 s26, $0x1;
	_ =	strace $0x80000046;
	[dreg:$0x1] =	wrdreg $0xFFFFFFFF  }
0xa8: {  	s28 =	simm.s32 $_size_execute0_lowered;
	s4 =	sadd.s32 s4, s6;
	[dreg:$0x0] =	wrdreg $0x0  }
0xa9: {  	s6 =	sshll.u32 s28, $0x1;
	[dreg:$0x2] =	wrdreg s4  }
0xaa: {  	[dreg:$0x3] =	wrdreg s6  }
0xab: {  	[dreg:$0x4] =	wrdreg $0xC0  }
0xac: {  	_ =	task [dreg:s8], $0x5FFFF  }
0xad: {  	[dreg:$0x1] =	wrdreg $0xFFFFFFFF  }
0xae: {  	[dreg:$0x0] =	wrdreg $0x60  }
0xaf: {  	[dreg:$0x2] =	wrdreg s2  }
0xb0: {  	[dreg:$0x3] =	wrdreg s24  }
0xb1: {  	[dreg:$0x4] =	wrdreg s18  }
0xb2: {  	[dreg:$0x5] =	wrdreg $0x9  }
0xb3: {  	_ =	task.clear_ibuf [dreg:s8], $0x6FFFF;
	_ =	strace $0x90000046  }
0xb4: {  	s29 =	simm.s32 $0x9;
	_ =	strace $0x80000048  }
0xb5: {  	_ =	swait.ge [sflag:s29], $0x1  }
0xb6: {  	[sflag:s29] =	ssyncadd.s32 $0xFFFFFFFF  }
0xb7: {  	_ =	strace $0x90000048  }
0xb8: {  	_ =	sfence  }
0xb9: {  	s30 =	sld [smem:$0x0];
	_ =	sdelay $0x2  }
0xba: {  	s31 =	sshll.u32 s1, $0xD;
	s1 =	sshrl.u32 s1, $0x2  }
0xbb: {  	s3 =	sand.u32 $0x4000, s31;
	s1 =	sadd.s32 s1, s30  }
0xbc: {  	s0 =	sor.u32 s3, s0;
	s1 =	sshll.u32 s1, $0x11  }
0xbd: {  	s0 =	sor.u32 s1, s0  }
0xbe: {  	s0 =	sadd.s32 $0x8F2B, s0  }
0xbf: {  	[sflag:s0] =	ssyncadd.remote.s32 $0x1  }
0xc0: {  	_ =	sfence.sel $0xFFFF  }
0xc1: {  	[dreg:$0x0] =	wrdreg $0xFFFFFFFF;
	(pc) =	sbr.abs _section_cstart, $3  }
0xc2: {  	[dreg:$0x1] =	wrdreg $0xFFFFFFFF  }
0xc3: {  	_ =	task.clear_ibuf [dreg:s8], $0x2FFFF;
	_ =	strace $0x9FFFFFFF  }
0xc4: {  	(tm) =	ssettm $0x7FFFFFFF  }
0xc5: {  	_ =	shalt  }
tec
execute0_lowered:
.L_overlay_start_1:
0x0: {  	(tag) =	ssettag $0x1  }
0x1: {  	s23 =	rddreg [dreg:$0x0]  }
0x2: {  	s0 =	rddreg [dreg:$0x1]  }
0x3: {  	s1 =	rddreg [dreg:$0x2]  }
0x4: {  	s3 =	simm.s32 $0x0;
	s2 =	srdreg.scid;
	s19 =	stileid.u32  }
0x5: {  	s24 =	simm.s32 $0x200;
	s21 =	simm.s32 $0x0;
	s26 =	simm.s32 $0x400  }
0x6: {  	[smem:$0x7FF] =	sst s3;
	s2 =	sand.u32 $0x1, s2;
	s5 =	sshll.u32 s19, $0x7  }
0x7: {  	s8 =	sadd.s32 $0x800, s23;
	s9 =	sadd.s32 $0xA00, s23;
	s10 =	sadd.s32 $0xC00, s23  }
0x8: {  	s11 =	sadd.s32 $0xE00, s23;
	s12 =	sadd.s32 $0x1000, s23;
	s13 =	sadd.s32 $0x1200, s23  }
0x9: {  	s14 =	sadd.s32 $0x1400, s23;
	s15 =	sadd.s32 $0x1600, s23;
	s16 =	sadd.s32 $0x1800, s23  }
0xa: {  	s17 =	sadd.s32 $0x1A00, s23;
	s18 =	sadd.s32 $0x1C00, s23;
	s30 =	sshll.u32 s19, $0x13  }
0xb: {  	s19 =	sadd.s32 $0x1E00, s23;
	s4 =	ssub.s32 $0x2, s2;
	s6 =	sshll.u32 s2, $0x6  }
0xc: {  	_ =	strace $0x80000047;
	s2 =	sshll.u32 s2, $0x12;
	s20 =	sand.u32 $0x600000, s30  }
0xd: {  	s7 =	sshrl.u32 s4, $0x1;
	s5 =	sor.u32 s6, s5;
	s6 =	sadd.s32 $0x400, s23  }
.Ltmp0:
0xe: {  	s20 =	sadd.s32 s1, s20;
	s1 =	simm.s32 $0x8200;
	(pc) =	sbr.rel .LBB2_1-.Ltmp0, $4  }
0xf: {  	s4 =	ssub.s32 s4, s7;
	s0 =	sadd.s32 s0, s5;
	s5 =	sadd.s32 $0x200, s23  }
0x10: {  	v0 =	vlaneseq.u32;
	[dreg:$0x4] =	wrdreg s0;
	s0 =	sor.u32 s2, s30;
	s31 =	smax.u32 s4, $0x1  }
0x11: {  	v1 =	vshrl.u32 v0, $0x2;
	s7 =	sadd.s32 $0x600, s23;
	[dreg:$0x5] =	wrdreg s31;
	s0 =	sand.u32 $0x1C0000, s0  }
0x12: {  	vm0 =	vmmov $0xffff;
	v0 =	vand.u32 $0x3, v0;
	v1 =	vmul.u32 $0x8, v1;
	s2 =	simm.s32 $0x10200;
	s4 =	simm.s32 $0x4;
	[dreg:$0x6] =	wrdreg s0  }
.LBB2_9:
0x13: {  	_ =	swait.ge [sflag:s4], $0x8000  }
0x14: {  	[sflag:s4] =	ssyncset.done $0x0  }
0x15: {  	s2 =	simm.s32 $0x10200;
	[sflag:s4] =	ssyncadd.s32 $0xFFFF8000  }
.LBB2_7:
0x16: {  	s21 =	rddreg [dreg:$0x7]  }
0x17: {  	s0 =	rddreg [dreg:$0x5];
	s21 =	sadd.s32 $0x1, s21  }
0x18: {  	p0 =	sne.s32 s21, s0  }
.Ltmp1:
0x19: {  	_ = 	snop;
	(pc) =	sbr.rel @!p0 .LBB2_8-.Ltmp1, $2  }
0x1a: {  	_ =	sdelay $0x2  }
0x1b: {  	s1 =	simm.s32 $0x8200  }
.LBB2_1:
0x1c: {  	[dreg:$0x7] =	wrdreg s21  }
0x1d: {  	s0 =	rddreg [dreg:$0x4];
	s25 =	simm.s32 $0x7  }
0x1e: {  	[tilespmem:s3], [sflag:$0x7] =	stream.linear.gather [hbm4b:s0+s3], $0x200, $0x38;
	[tilespmem:$0x18200] =	vst v63  }
0x1f: {  	_ =	swait.ge [sflag:s25], $0x200  }
0x20: {  	[sflag:s25] =	ssyncset.done $0x0  }
0x21: {  	[sflag:s25] =	ssyncadd.s32 $0xFFFFFE00  }
0x22: {  	v2 =	vld.msk [tilespmem:$0x0], $0xf;
	_ =	sdelay $0x4  }
0x23: {  	v3 =	vshll.u32 v2, $0x6  }
0x24: {  	v2 =	vand.u32 $0x7, v2;
	v3 =	vand.u32 $0xFFFFFE00, v3  }
0x25: {  	v2 =	vor.u32 v2, v3  }
0x26: {  	v2 =	vperm.xlane v2, v0;
	_ =	sdelay $0x1  }
0x27: {  	v2 =	vadd.s32 v1, v2;
	_ =	sdelay $0x4  }
0x28: {  	[tilespmem:s24], [sflag:$0x1] =	stream.indirect_vreg.gather [hbm4b:s23+s3], $0x80, v2, vm0, $0xb8;
	[tilespmem:$0x18200] =	vst v63  }
0x29: {  	s21 =	simm.s32 $0xA00  }
0x2a: {  	[tilespmem:s21], [sflag:$0x1] =	stream.indirect_vreg.gather [hbm4b:s5+s3], $0x80, v2, vm0, $0xb8;
	[tilespmem:$0x18200] =	vst v63  }
0x2b: {  	s22 =	simm.s32 $0x1200  }
0x2c: {  	[tilespmem:s22], [sflag:$0x1] =	stream.indirect_vreg.gather [hbm4b:s6+s3], $0x80, v2, vm0, $0xb8;
	[tilespmem:$0x18200] =	vst v63  }
0x2d: {  	s25 =	simm.s32 $0x1A00  }
0x2e: {  	[tilespmem:s25], [sflag:$0x1] =	stream.indirect_vreg.gather [hbm4b:s7+s3], $0x80, v2, vm0, $0xb8;
	[tilespmem:$0x18200] =	vst v63  }
0x2f: {  	s21 =	simm.s32 $0x2200  }
0x30: {  	[tilespmem:s21], [sflag:$0x1] =	stream.indirect_vreg.gather [hbm4b:s8+s3], $0x80, v2, vm0, $0xb8;
	[tilespmem:$0x18200] =	vst v63  }
0x31: {  	s22 =	simm.s32 $0x2A00  }
0x32: {  	[tilespmem:s22], [sflag:$0x1] =	stream.indirect_vreg.gather [hbm4b:s9+s3], $0x80, v2, vm0, $0xb8;
	[tilespmem:$0x18200] =	vst v63  }
0x33: {  	s25 =	simm.s32 $0x3200  }
0x34: {  	[tilespmem:s25], [sflag:$0x1] =	stream.indirect_vreg.gather [hbm4b:s10+s3], $0x80, v2, vm0, $0xb8;
	[tilespmem:$0x18200] =	vst v63  }
0x35: {  	s21 =	simm.s32 $0x3A00  }
0x36: {  	[tilespmem:s21], [sflag:$0x1] =	stream.indirect_vreg.gather [hbm4b:s11+s3], $0x80, v2, vm0, $0xb8;
	[tilespmem:$0x18200] =	vst v63  }
0x37: {  	s22 =	simm.s32 $0x4200  }
0x38: {  	[tilespmem:s22], [sflag:$0x1] =	stream.indirect_vreg.gather [hbm4b:s12+s3], $0x80, v2, vm0, $0xb8;
	[tilespmem:$0x18200] =	vst v63  }
0x39: {  	s25 =	simm.s32 $0x4A00  }
0x3a: {  	[tilespmem:s25], [sflag:$0x1] =	stream.indirect_vreg.gather [hbm4b:s13+s3], $0x80, v2, vm0, $0xb8;
	[tilespmem:$0x18200] =	vst v63  }
0x3b: {  	s21 =	simm.s32 $0x5200  }
0x3c: {  	[tilespmem:s21], [sflag:$0x1] =	stream.indirect_vreg.gather [hbm4b:s14+s3], $0x80, v2, vm0, $0xb8;
	[tilespmem:$0x18200] =	vst v63  }
0x3d: {  	s22 =	simm.s32 $0x5A00  }
0x3e: {  	[tilespmem:s22], [sflag:$0x1] =	stream.indirect_vreg.gather [hbm4b:s15+s3], $0x80, v2, vm0, $0xb8;
	[tilespmem:$0x18200] =	vst v63  }
0x3f: {  	s25 =	simm.s32 $0x6200  }
0x40: {  	[tilespmem:s25], [sflag:$0x1] =	stream.indirect_vreg.gather [hbm4b:s16+s3], $0x80, v2, vm0, $0xb8;
	[tilespmem:$0x18200] =	vst v63  }
0x41: {  	s21 =	simm.s32 $0x6A00  }
0x42: {  	[tilespmem:s21], [sflag:$0x1] =	stream.indirect_vreg.gather [hbm4b:s17+s3], $0x80, v2, vm0, $0xb8;
	[tilespmem:$0x18200] =	vst v63  }
0x43: {  	s22 =	simm.s32 $0x7200  }
0x44: {  	[tilespmem:s22], [sflag:$0x1] =	stream.indirect_vreg.gather [hbm4b:s18+s3], $0x80, v2, vm0, $0xb8;
	[tilespmem:$0x18200] =	vst v63  }
0x45: {  	s25 =	simm.s32 $0x7A00  }
0x46: {  	[tilespmem:s25], [sflag:$0x1] =	stream.indirect_vreg.gather [hbm4b:s19+s3], $0x80, v2, vm0, $0xb8;
	[tilespmem:$0x18200] =	vst v63  }
0x47: {  	v2 =	vld.msk [tilespmem:$0x8], $0xf;
	_ =	sdelay $0x4  }
0x48: {  	v3 =	vshll.u32 v2, $0x6  }
0x49: {  	v2 =	vand.u32 $0x7, v2;
	v3 =	vand.u32 $0xFFFFFE00, v3  }
0x4a: {  	v2 =	vor.u32 v2, v3  }
0x4b: {  	v2 =	vperm.xlane v2, v0;
	_ =	sdelay $0x1  }
0x4c: {  	v2 =	vadd.s32 v1, v2;
	_ =	sdelay $0x4  }
0x4d: {  	[tilespmem:s1], [sflag:$0x2] =	stream.indirect_vreg.gather [hbm4b:s23+s3], $0x80, v2, vm0, $0xb8;
	[tilespmem:$0x18200] =	vst v63  }
0x4e: {  	s21 =	simm.s32 $0x8A00  }
0x4f: {  	[tilespmem:s21], [sflag:$0x2] =	stream.indirect_vreg.gather [hbm4b:s5+s3], $0x80, v2, vm0, $0xb8;
	[tilespmem:$0x18200] =	vst v63  }
0x50: {  	s22 =	simm.s32 $0x9200  }
0x51: {  	[tilespmem:s22], [sflag:$0x2] =	stream.indirect_vreg.gather [hbm4b:s6+s3], $0x80, v2, vm0, $0xb8;
	[tilespmem:$0x18200] =	vst v63  }
0x52: {  	s25 =	simm.s32 $0x9A00  }
0x53: {  	[tilespmem:s25], [sflag:$0x2] =	stream.indirect_vreg.gather [hbm4b:s7+s3], $0x80, v2, vm0, $0xb8;
	[tilespmem:$0x18200] =	vst v63  }
0x54: {  	s1 =	simm.s32 $0xA200  }
0x55: {  	[tilespmem:s1], [sflag:$0x2] =	stream.indirect_vreg.gather [hbm4b:s8+s3], $0x80, v2, vm0, $0xb8;
	[tilespmem:$0x18200] =	vst v63  }
0x56: {  	s21 =	simm.s32 $0xAA00  }
0x57: {  	[tilespmem:s21], [sflag:$0x2] =	stream.indirect_vreg.gather [hbm4b:s9+s3], $0x80, v2, vm0, $0xb8;
	[tilespmem:$0x18200] =	vst v63  }
0x58: {  	s22 =	simm.s32 $0xB200  }
0x59: {  	[tilespmem:s22], [sflag:$0x2] =	stream.indirect_vreg.gather [hbm4b:s10+s3], $0x80, v2, vm0, $0xb8;
	[tilespmem:$0x18200] =	vst v63  }
0x5a: {  	s25 =	simm.s32 $0xBA00  }
0x5b: {  	[tilespmem:s25], [sflag:$0x2] =	stream.indirect_vreg.gather [hbm4b:s11+s3], $0x80, v2, vm0, $0xb8;
	[tilespmem:$0x18200] =	vst v63  }
0x5c: {  	s1 =	simm.s32 $0xC200  }
0x5d: {  	[tilespmem:s1], [sflag:$0x2] =	stream.indirect_vreg.gather [hbm4b:s12+s3], $0x80, v2, vm0, $0xb8;
	[tilespmem:$0x18200] =	vst v63  }
0x5e: {  	s21 =	simm.s32 $0xCA00  }
0x5f: {  	[tilespmem:s21], [sflag:$0x2] =	stream.indirect_vreg.gather [hbm4b:s13+s3], $0x80, v2, vm0, $0xb8;
	[tilespmem:$0x18200] =	vst v63  }
0x60: {  	s22 =	simm.s32 $0xD200  }
0x61: {  	[tilespmem:s22], [sflag:$0x2] =	stream.indirect_vreg.gather [hbm4b:s14+s3], $0x80, v2, vm0, $0xb8;
	[tilespmem:$0x18200] =	vst v63  }
0x62: {  	s25 =	simm.s32 $0xDA00  }
0x63: {  	[tilespmem:s25], [sflag:$0x2] =	stream.indirect_vreg.gather [hbm4b:s15+s3], $0x80, v2, vm0, $0xb8;
	[tilespmem:$0x18200] =	vst v63  }
0x64: {  	s1 =	simm.s32 $0xE200  }
0x65: {  	[tilespmem:s1], [sflag:$0x2] =	stream.indirect_vreg.gather [hbm4b:s16+s3], $0x80, v2, vm0, $0xb8;
	[tilespmem:$0x18200] =	vst v63  }
0x66: {  	s21 =	simm.s32 $0xEA00  }
0x67: {  	[tilespmem:s21], [sflag:$0x2] =	stream.indirect_vreg.gather [hbm4b:s17+s3], $0x80, v2, vm0, $0xb8;
	[tilespmem:$0x18200] =	vst v63  }
0x68: {  	s22 =	simm.s32 $0xF200  }
0x69: {  	[tilespmem:s22], [sflag:$0x2] =	stream.indirect_vreg.gather [hbm4b:s18+s3], $0x80, v2, vm0, $0xb8;
	[tilespmem:$0x18200] =	vst v63  }
0x6a: {  	s25 =	simm.s32 $0xFA00  }
0x6b: {  	[tilespmem:s25], [sflag:$0x2] =	stream.indirect_vreg.gather [hbm4b:s19+s3], $0x80, v2, vm0, $0xb8;
	[tilespmem:$0x18200] =	vst v63  }
0x6c: {  	v2 =	vld.msk [tilespmem:$0x10], $0xf;
	_ =	sdelay $0x4  }
0x6d: {  	v3 =	vshll.u32 v2, $0x6  }
0x6e: {  	v2 =	vand.u32 $0x7, v2;
	v3 =	vand.u32 $0xFFFFFE00, v3  }
0x6f: {  	v2 =	vor.u32 v2, v3  }
0x70: {  	v2 =	vperm.xlane v2, v0;
	_ =	sdelay $0x1  }
0x71: {  	v2 =	vadd.s32 v1, v2;
	_ =	sdelay $0x4  }
0x72: {  	[tilespmem:s2], [sflag:$0x3] =	stream.indirect_vreg.gather [hbm4b:s23+s3], $0x80, v2, vm0, $0xb8;
	[tilespmem:$0x18200] =	vst v63  }
0x73: {  	s1 =	simm.s32 $0x10A00  }
0x74: {  	[tilespmem:s1], [sflag:$0x3] =	stream.indirect_vreg.gather [hbm4b:s5+s3], $0x80, v2, vm0, $0xb8;
	[tilespmem:$0x18200] =	vst v63  }
0x75: {  	s2 =	simm.s32 $0x11200  }
0x76: {  	[tilespmem:s2], [sflag:$0x3] =	stream.indirect_vreg.gather [hbm4b:s6+s3], $0x80, v2, vm0, $0xb8;
	[tilespmem:$0x18200] =	vst v63  }
0x77: {  	s21 =	simm.s32 $0x11A00  }
0x78: {  	[tilespmem:s21], [sflag:$0x3] =	stream.indirect_vreg.gather [hbm4b:s7+s3], $0x80, v2, vm0, $0xb8;
	[tilespmem:$0x18200] =	vst v63  }
0x79: {  	s22 =	simm.s32 $0x12200  }
0x7a: {  	[tilespmem:s22], [sflag:$0x3] =	stream.indirect_vreg.gather [hbm4b:s8+s3], $0x80, v2, vm0, $0xb8;
	[tilespmem:$0x18200] =	vst v63  }
0x7b: {  	s25 =	simm.s32 $0x12A00  }
0x7c: {  	[tilespmem:s25], [sflag:$0x3] =	stream.indirect_vreg.gather [hbm4b:s9+s3], $0x80, v2, vm0, $0xb8;
	[tilespmem:$0x18200] =	vst v63  }
0x7d: {  	s1 =	simm.s32 $0x13200  }
0x7e: {  	[tilespmem:s1], [sflag:$0x3] =	stream.indirect_vreg.gather [hbm4b:s10+s3], $0x80, v2, vm0, $0xb8;
	[tilespmem:$0x18200] =	vst v63  }
0x7f: {  	s2 =	simm.s32 $0x13A00  }
0x80: {  	[tilespmem:s2], [sflag:$0x3] =	stream.indirect_vreg.gather [hbm4b:s11+s3], $0x80, v2, vm0, $0xb8;
	[tilespmem:$0x18200] =	vst v63  }
0x81: {  	s21 =	simm.s32 $0x14200  }
0x82: {  	[tilespmem:s21], [sflag:$0x3] =	stream.indirect_vreg.gather [hbm4b:s12+s3], $0x80, v2, vm0, $0xb8;
	[tilespmem:$0x18200] =	vst v63  }
0x83: {  	s22 =	simm.s32 $0x14A00  }
0x84: {  	[tilespmem:s22], [sflag:$0x3] =	stream.indirect_vreg.gather [hbm4b:s13+s3], $0x80, v2, vm0, $0xb8;
	[tilespmem:$0x18200] =	vst v63  }
0x85: {  	s25 =	simm.s32 $0x15200  }
0x86: {  	[tilespmem:s25], [sflag:$0x3] =	stream.indirect_vreg.gather [hbm4b:s14+s3], $0x80, v2, vm0, $0xb8;
	[tilespmem:$0x18200] =	vst v63  }
0x87: {  	s1 =	simm.s32 $0x15A00  }
0x88: {  	[tilespmem:s1], [sflag:$0x3] =	stream.indirect_vreg.gather [hbm4b:s15+s3], $0x80, v2, vm0, $0xb8;
	[tilespmem:$0x18200] =	vst v63  }
0x89: {  	s2 =	simm.s32 $0x16200  }
0x8a: {  	[tilespmem:s2], [sflag:$0x3] =	stream.indirect_vreg.gather [hbm4b:s16+s3], $0x80, v2, vm0, $0xb8;
	[tilespmem:$0x18200] =	vst v63  }
0x8b: {  	s21 =	simm.s32 $0x16A00  }
0x8c: {  	[tilespmem:s21], [sflag:$0x3] =	stream.indirect_vreg.gather [hbm4b:s17+s3], $0x80, v2, vm0, $0xb8;
	[tilespmem:$0x18200] =	vst v63  }
.Ltmp2:
0x8d: {  	s28 =	simm.s32 $0x40;
	(pc) =	sbr.rel .LBB2_2-.Ltmp2, $4  }
0x8e: {  	s29 =	simm.s32 $0x28;
	s30 =	simm.s32 $0x0;
	s22 =	simm.s32 $0x17200  }
0x8f: {  	[tilespmem:s22], [sflag:$0x3] =	stream.indirect_vreg.gather [hbm4b:s18+s3], $0x80, v2, vm0, $0xb8;
	[tilespmem:$0x18200] =	vst v63  }
0x90: {  	s31 =	simm.s32 $0x0;
	s25 =	simm.s32 $0x17A00;
	s1 =	simm.s32 $0x0  }
0x91: {  	[tilespmem:s25], [sflag:$0x3] =	stream.indirect_vreg.gather [hbm4b:s19+s3], $0x80, v2, vm0, $0xb8;
	[tilespmem:$0x18200] =	vst v63  }
.LBB2_5:
0x92: {  	v2 =	vld.msk [tilespmem:s29+$0xFFFFFFF8], $0xf;
	_ =	sdelay $0x4  }
0x93: {  	v3 =	vshll.u32 v2, $0x6  }
0x94: {  	v2 =	vand.u32 $0x7, v2;
	v3 =	vand.u32 $0xFFFFFE00, v3  }
0x95: {  	v2 =	vor.u32 v2, v3  }
0x96: {  	v2 =	vperm.xlane v2, v0;
	_ =	sdelay $0x1  }
0x97: {  	v2 =	vadd.s32 v1, v2;
	_ =	sdelay $0x4  }
0x98: {  	[tilespmem:s25], [sflag:$0x2] =	stream.indirect_vreg.gather [hbm4b:s23+s3], $0x80, v2, vm0, $0xb8;
	[tilespmem:$0x18200] =	vst v63  }
0x99: {  	s0 =	simm.s32 $0x8A00  }
0x9a: {  	[tilespmem:s0], [sflag:$0x2] =	stream.indirect_vreg.gather [hbm4b:s5+s3], $0x80, v2, vm0, $0xb8;
	[tilespmem:$0x18200] =	vst v63  }
0x9b: {  	s21 =	simm.s32 $0x9200  }
0x9c: {  	[tilespmem:s21], [sflag:$0x2] =	stream.indirect_vreg.gather [hbm4b:s6+s3], $0x80, v2, vm0, $0xb8;
	[tilespmem:$0x18200] =	vst v63  }
0x9d: {  	s22 =	simm.s32 $0x9A00  }
0x9e: {  	[tilespmem:s22], [sflag:$0x2] =	stream.indirect_vreg.gather [hbm4b:s7+s3], $0x80, v2, vm0, $0xb8;
	[tilespmem:$0x18200] =	vst v63  }
0x9f: {  	s25 =	simm.s32 $0xA200  }
0xa0: {  	[tilespmem:s25], [sflag:$0x2] =	stream.indirect_vreg.gather [hbm4b:s8+s3], $0x80, v2, vm0, $0xb8;
	[tilespmem:$0x18200] =	vst v63  }
0xa1: {  	s21 =	simm.s32 $0xAA00  }
0xa2: {  	[tilespmem:s21], [sflag:$0x2] =	stream.indirect_vreg.gather [hbm4b:s9+s3], $0x80, v2, vm0, $0xb8;
	[tilespmem:$0x18200] =	vst v63  }
0xa3: {  	s22 =	simm.s32 $0xB200  }
0xa4: {  	[tilespmem:s22], [sflag:$0x2] =	stream.indirect_vreg.gather [hbm4b:s10+s3], $0x80, v2, vm0, $0xb8;
	[tilespmem:$0x18200] =	vst v63  }
0xa5: {  	s25 =	simm.s32 $0xBA00  }
0xa6: {  	[tilespmem:s25], [sflag:$0x2] =	stream.indirect_vreg.gather [hbm4b:s11+s3], $0x80, v2, vm0, $0xb8;
	[tilespmem:$0x18200] =	vst v63  }
0xa7: {  	s21 =	simm.s32 $0xC200  }
0xa8: {  	[tilespmem:s21], [sflag:$0x2] =	stream.indirect_vreg.gather [hbm4b:s12+s3], $0x80, v2, vm0, $0xb8;
	[tilespmem:$0x18200] =	vst v63  }
0xa9: {  	s22 =	simm.s32 $0xCA00  }
0xaa: {  	[tilespmem:s22], [sflag:$0x2] =	stream.indirect_vreg.gather [hbm4b:s13+s3], $0x80, v2, vm0, $0xb8;
	[tilespmem:$0x18200] =	vst v63  }
0xab: {  	s25 =	simm.s32 $0xD200  }
0xac: {  	[tilespmem:s25], [sflag:$0x2] =	stream.indirect_vreg.gather [hbm4b:s14+s3], $0x80, v2, vm0, $0xb8;
	[tilespmem:$0x18200] =	vst v63  }
0xad: {  	s21 =	simm.s32 $0xDA00  }
0xae: {  	[tilespmem:s21], [sflag:$0x2] =	stream.indirect_vreg.gather [hbm4b:s15+s3], $0x80, v2, vm0, $0xb8;
	[tilespmem:$0x18200] =	vst v63  }
0xaf: {  	s22 =	simm.s32 $0xE200  }
0xb0: {  	[tilespmem:s22], [sflag:$0x2] =	stream.indirect_vreg.gather [hbm4b:s16+s3], $0x80, v2, vm0, $0xb8;
	[tilespmem:$0x18200] =	vst v63  }
0xb1: {  	s25 =	simm.s32 $0xEA00  }
0xb2: {  	[tilespmem:s25], [sflag:$0x2] =	stream.indirect_vreg.gather [hbm4b:s17+s3], $0x80, v2, vm0, $0xb8;
	[tilespmem:$0x18200] =	vst v63  }
0xb3: {  	s21 =	simm.s32 $0xF200  }
0xb4: {  	[tilespmem:s21], [sflag:$0x2] =	stream.indirect_vreg.gather [hbm4b:s18+s3], $0x80, v2, vm0, $0xb8;
	[tilespmem:$0x18200] =	vst v63  }
0xb5: {  	s22 =	simm.s32 $0xFA00;
	s25 =	simm.s32 $0x6  }
0xb6: {  	[tilespmem:s22], [sflag:$0x2] =	stream.indirect_vreg.gather [hbm4b:s19+s3], $0x80, v2, vm0, $0xb8;
	[tilespmem:$0x18200] =	vst v63  }
0xb7: {  	_ =	swait.ge [sflag:s25], $0x8000  }
0xb8: {  	[sflag:s25] =	ssyncset.done $0x0  }
0xb9: {  	[sflag:s25] =	ssyncadd.s32 $0xFFFF8000  }
0xba: {  	v2 =	vld.msk [tilespmem:s29+$0x0], $0xf;
	_ =	sdelay $0x4  }
0xbb: {  	v3 =	vshll.u32 v2, $0x6  }
0xbc: {  	v2 =	vand.u32 $0x7, v2;
	v3 =	vand.u32 $0xFFFFFE00, v3  }
0xbd: {  	v2 =	vor.u32 v2, v3  }
0xbe: {  	v2 =	vperm.xlane v2, v0;
	_ =	sdelay $0x1  }
0xbf: {  	v2 =	vadd.s32 v1, v2;
	_ =	sdelay $0x4  }
0xc0: {  	[tilespmem:s2], [sflag:$0x3] =	stream.indirect_vreg.gather [hbm4b:s23+s3], $0x80, v2, vm0, $0xb8;
	[tilespmem:$0x18200] =	vst v63  }
0xc1: {  	s21 =	simm.s32 $0x10A00  }
0xc2: {  	[tilespmem:s21], [sflag:$0x3] =	stream.indirect_vreg.gather [hbm4b:s5+s3], $0x80, v2, vm0, $0xb8;
	[tilespmem:$0x18200] =	vst v63  }
0xc3: {  	s22 =	simm.s32 $0x11200  }
0xc4: {  	[tilespmem:s22], [sflag:$0x3] =	stream.indirect_vreg.gather [hbm4b:s6+s3], $0x80, v2, vm0, $0xb8;
	[tilespmem:$0x18200] =	vst v63  }
0xc5: {  	s25 =	simm.s32 $0x11A00  }
0xc6: {  	[tilespmem:s25], [sflag:$0x3] =	stream.indirect_vreg.gather [hbm4b:s7+s3], $0x80, v2, vm0, $0xb8;
	[tilespmem:$0x18200] =	vst v63  }
0xc7: {  	s21 =	simm.s32 $0x12200  }
0xc8: {  	[tilespmem:s21], [sflag:$0x3] =	stream.indirect_vreg.gather [hbm4b:s8+s3], $0x80, v2, vm0, $0xb8;
	[tilespmem:$0x18200] =	vst v63  }
0xc9: {  	s22 =	simm.s32 $0x12A00  }
0xca: {  	[tilespmem:s22], [sflag:$0x3] =	stream.indirect_vreg.gather [hbm4b:s9+s3], $0x80, v2, vm0, $0xb8;
	[tilespmem:$0x18200] =	vst v63  }
0xcb: {  	s25 =	simm.s32 $0x13200  }
0xcc: {  	[tilespmem:s25], [sflag:$0x3] =	stream.indirect_vreg.gather [hbm4b:s10+s3], $0x80, v2, vm0, $0xb8;
	[tilespmem:$0x18200] =	vst v63  }
0xcd: {  	s21 =	simm.s32 $0x13A00  }
0xce: {  	[tilespmem:s21], [sflag:$0x3] =	stream.indirect_vreg.gather [hbm4b:s11+s3], $0x80, v2, vm0, $0xb8;
	[tilespmem:$0x18200] =	vst v63  }
0xcf: {  	s22 =	simm.s32 $0x14200  }
0xd0: {  	[tilespmem:s22], [sflag:$0x3] =	stream.indirect_vreg.gather [hbm4b:s12+s3], $0x80, v2, vm0, $0xb8;
	[tilespmem:$0x18200] =	vst v63  }
0xd1: {  	s25 =	simm.s32 $0x14A00  }
0xd2: {  	[tilespmem:s25], [sflag:$0x3] =	stream.indirect_vreg.gather [hbm4b:s13+s3], $0x80, v2, vm0, $0xb8;
	[tilespmem:$0x18200] =	vst v63  }
0xd3: {  	s21 =	simm.s32 $0x15200  }
0xd4: {  	[tilespmem:s21], [sflag:$0x3] =	stream.indirect_vreg.gather [hbm4b:s14+s3], $0x80, v2, vm0, $0xb8;
	[tilespmem:$0x18200] =	vst v63  }
0xd5: {  	s22 =	simm.s32 $0x15A00  }
0xd6: {  	[tilespmem:s22], [sflag:$0x3] =	stream.indirect_vreg.gather [hbm4b:s15+s3], $0x80, v2, vm0, $0xb8;
	[tilespmem:$0x18200] =	vst v63  }
0xd7: {  	s25 =	simm.s32 $0x16200  }
0xd8: {  	[tilespmem:s25], [sflag:$0x3] =	stream.indirect_vreg.gather [hbm4b:s16+s3], $0x80, v2, vm0, $0xb8;
	[tilespmem:$0x18200] =	vst v63  }
0xd9: {  	s21 =	simm.s32 $0x16A00  }
0xda: {  	[tilespmem:s21], [sflag:$0x3] =	stream.indirect_vreg.gather [hbm4b:s17+s3], $0x80, v2, vm0, $0xb8;
	[tilespmem:$0x18200] =	vst v63  }
0xdb: {  	s22 =	simm.s32 $0x17200  }
0xdc: {  	[tilespmem:s22], [sflag:$0x3] =	stream.indirect_vreg.gather [hbm4b:s18+s3], $0x80, v2, vm0, $0xb8;
	[tilespmem:$0x18200] =	vst v63  }
0xdd: {  	s25 =	simm.s32 $0x17A00  }
0xde: {  	[tilespmem:s25], [sflag:$0x3] =	stream.indirect_vreg.gather [hbm4b:s19+s3], $0x80, v2, vm0, $0xb8;
	[tilespmem:$0x18200] =	vst v63  }
.LBB2_6:
0xdf: {  	s31 =	sadd.s32 $0x3000, s31  }
0xe0: {  	p0 =	sne.s32 s31, $0x42000  }
.Ltmp3:
0xe1: {  	_ = 	snop;
	(pc) =	sbr.rel @!p0 .LBB2_7-.Ltmp3, $3  }
0xe2: {  	_ =	sdelay $0x1  }
0xe3: {  	s1 =	sadd.s32 $0x1, s1  }
0xe4: {  	s28 =	sadd.s32 $0xC0, s28;
	s29 =	sadd.s32 $0x18, s29;
	s30 =	sadd.s32 $0x40, s30  }
.LBB2_2:
0xe5: {  	s25 =	simm.s32 $0x1  }
0xe6: {  	p0 =	seq.s32 s31, $0x3F000;
	_ =	swait.ge [sflag:s25], $0x8000  }
.Ltmp4:
0xe7: {  	s0 =	rddreg [dreg:$0x6];
	(pc) =	sbr.rel @p0 .LBB2_9-.Ltmp4, $4  }
0xe8: {  	s2 =	sand.u32 $0x40, s30;
	s22 =	sadd.s32 s31, s0  }
0xe9: {  	s2 =	sadd.s32 s2, s20;
	[sflag:s25] =	ssyncset.done $0x0;
	s21 =	sand.u32 $0x3FE000, s22  }
0xea: {  	[sflag:s25] =	ssyncadd.s32 $0xFFFF8000;
	s21 =	sadd.s32 s21, s2  }
0xeb: {  	[hbm4b:s21+s24] =	stream.strided.scatter [tilespmem:s24], [sflag:$0x4], $0x8000, s26, s24, $0x38;
	[tilespmem:$0x18200] =	vst v63  }
0xec: {  	s25 =	simm.s32 $0x2  }
0xed: {  	s21 =	sadd.s32 $0x1000, s22;
	s0 =	smov.u32 s23;
	s23 =	sand.u32 $0x40, s28  }
0xee: {  	_ =	swait.ge [sflag:s25], $0x8000;
	s21 =	sand.u32 $0x3FE000, s21;
	s23 =	sadd.s32 s23, s20  }
0xef: {  	[sflag:s25] =	ssyncset.done $0x0;
	s21 =	sadd.s32 s21, s23;
	s23 =	smov.u32 s0  }
0xf0: {  	s0 =	simm.s32 $0x3;
	[sflag:s25] =	ssyncadd.s32 $0xFFFF8000;
	s25 =	simm.s32 $0x8200  }
0xf1: {  	[hbm4b:s21+s24] =	stream.strided.scatter [tilespmem:s25], [sflag:$0x5], $0x8000, s26, s24, $0x38;
	[tilespmem:$0x18200] =	vst v63  }
0xf2: {  	s22 =	sadd.s32 $0x2000, s22;
	_ =	swait.ge [sflag:s0], $0x8000  }
0xf3: {  	s21 =	sand.u32 $0x3FE000, s22;
	[sflag:s0] =	ssyncset.done $0x0  }
0xf4: {  	s22 =	simm.s32 $0x10200;
	s2 =	sadd.s32 s21, s2;
	[sflag:s0] =	ssyncadd.s32 $0xFFFF8000  }
0xf5: {  	[hbm4b:s2+s24] =	stream.strided.scatter [tilespmem:s22], [sflag:$0x6], $0x8000, s26, s24, $0x38;
	[tilespmem:$0x18200] =	vst v63  }
0xf6: {  	_ =	swait.ge [sflag:s4], $0x8000  }
0xf7: {  	[sflag:s4] =	ssyncset.done $0x0  }
0xf8: {  	[sflag:s4] =	ssyncadd.s32 $0xFFFF8000  }
0xf9: {  	v2 =	vld.msk [tilespmem:s29+$0xFFFFFFF0], $0xf;
	_ =	sdelay $0x4  }
0xfa: {  	v3 =	vshll.u32 v2, $0x6  }
0xfb: {  	v2 =	vand.u32 $0x7, v2;
	v3 =	vand.u32 $0xFFFFFE00, v3  }
0xfc: {  	v2 =	vor.u32 v2, v3  }
0xfd: {  	v2 =	vperm.xlane v2, v0;
	_ =	sdelay $0x1  }
0xfe: {  	v2 =	vadd.s32 v1, v2;
	_ =	sdelay $0x4  }
0xff: {  	[tilespmem:s24], [sflag:$0x1] =	stream.indirect_vreg.gather [hbm4b:s23+s3], $0x80, v2, vm0, $0xb8;
	[tilespmem:$0x18200] =	vst v63  }
0x100: {  	s21 =	simm.s32 $0xA00  }
0x101: {  	[tilespmem:s21], [sflag:$0x1] =	stream.indirect_vreg.gather [hbm4b:s5+s3], $0x80, v2, vm0, $0xb8;
	[tilespmem:$0x18200] =	vst v63  }
0x102: {  	s22 =	simm.s32 $0x1200  }
0x103: {  	[tilespmem:s22], [sflag:$0x1] =	stream.indirect_vreg.gather [hbm4b:s6+s3], $0x80, v2, vm0, $0xb8;
	[tilespmem:$0x18200] =	vst v63  }
0x104: {  	s21 =	simm.s32 $0x1A00  }
0x105: {  	[tilespmem:s21], [sflag:$0x1] =	stream.indirect_vreg.gather [hbm4b:s7+s3], $0x80, v2, vm0, $0xb8;
	[tilespmem:$0x18200] =	vst v63  }
0x106: {  	s22 =	simm.s32 $0x2200  }
0x107: {  	[tilespmem:s22], [sflag:$0x1] =	stream.indirect_vreg.gather [hbm4b:s8+s3], $0x80, v2, vm0, $0xb8;
	[tilespmem:$0x18200] =	vst v63  }
0x108: {  	s21 =	simm.s32 $0x2A00  }
0x109: {  	[tilespmem:s21], [sflag:$0x1] =	stream.indirect_vreg.gather [hbm4b:s9+s3], $0x80, v2, vm0, $0xb8;
	[tilespmem:$0x18200] =	vst v63  }
0x10a: {  	s22 =	simm.s32 $0x3200  }
0x10b: {  	[tilespmem:s22], [sflag:$0x1] =	stream.indirect_vreg.gather [hbm4b:s10+s3], $0x80, v2, vm0, $0xb8;
	[tilespmem:$0x18200] =	vst v63  }
0x10c: {  	s21 =	simm.s32 $0x3A00  }
0x10d: {  	[tilespmem:s21], [sflag:$0x1] =	stream.indirect_vreg.gather [hbm4b:s11+s3], $0x80, v2, vm0, $0xb8;
	[tilespmem:$0x18200] =	vst v63  }
0x10e: {  	s22 =	simm.s32 $0x4200  }
0x10f: {  	[tilespmem:s22], [sflag:$0x1] =	stream.indirect_vreg.gather [hbm4b:s12+s3], $0x80, v2, vm0, $0xb8;
	[tilespmem:$0x18200] =	vst v63  }
0x110: {  	s21 =	simm.s32 $0x4A00  }
0x111: {  	[tilespmem:s21], [sflag:$0x1] =	stream.indirect_vreg.gather [hbm4b:s13+s3], $0x80, v2, vm0, $0xb8;
	[tilespmem:$0x18200] =	vst v63  }
0x112: {  	s22 =	simm.s32 $0x5200  }
0x113: {  	[tilespmem:s22], [sflag:$0x1] =	stream.indirect_vreg.gather [hbm4b:s14+s3], $0x80, v2, vm0, $0xb8;
	[tilespmem:$0x18200] =	vst v63  }
0x114: {  	s21 =	simm.s32 $0x5A00  }
0x115: {  	[tilespmem:s21], [sflag:$0x1] =	stream.indirect_vreg.gather [hbm4b:s15+s3], $0x80, v2, vm0, $0xb8;
	[tilespmem:$0x18200] =	vst v63  }
0x116: {  	s22 =	simm.s32 $0x6200  }
0x117: {  	[tilespmem:s22], [sflag:$0x1] =	stream.indirect_vreg.gather [hbm4b:s16+s3], $0x80, v2, vm0, $0xb8;
	[tilespmem:$0x18200] =	vst v63  }
0x118: {  	s21 =	simm.s32 $0x6A00  }
0x119: {  	[tilespmem:s21], [sflag:$0x1] =	stream.indirect_vreg.gather [hbm4b:s17+s3], $0x80, v2, vm0, $0xb8;
	[tilespmem:$0x18200] =	vst v63  }
0x11a: {  	p0 =	slt.u32 s1, $0x14;
	s22 =	simm.s32 $0x7200  }
0x11b: {  	[tilespmem:s22], [sflag:$0x1] =	stream.indirect_vreg.gather [hbm4b:s18+s3], $0x80, v2, vm0, $0xb8;
	[tilespmem:$0x18200] =	vst v63  }
.Ltmp5:
0x11c: {  	s21 =	simm.s32 $0x7A00;
	s22 =	simm.s32 $0x5;
	(pc) =	sbr.rel @p0 .LBB2_5-.Ltmp5, $4  }
0x11d: {  	[tilespmem:s21], [sflag:$0x1] =	stream.indirect_vreg.gather [hbm4b:s19+s3], $0x80, v2, vm0, $0xb8;
	[tilespmem:$0x18200] =	vst v63  }
0x11e: {  	_ =	swait.ge [sflag:s22], $0x8000  }
0x11f: {  	[sflag:s22] =	ssyncset.done $0x0  }
0x120: {  	s2 =	simm.s32 $0x10200;
	[sflag:s22] =	ssyncadd.s32 $0xFFFF8000  }
.Ltmp6:
0x121: {  	(pc) =	sbr.rel .LBB2_6-.Ltmp6, $4  }
0x122: {  	s0 =	simm.s32 $0x6  }
0x123: {  	_ =	swait.ge [sflag:s0], $0x8000  }
0x124: {  	[sflag:s0] =	ssyncset.done $0x0  }
0x125: {  	[sflag:s0] =	ssyncadd.s32 $0xFFFF8000  }
.LBB2_8:
0x126: {  	_ =	sfence.sel $0x180000  }
0x127: {  	[bflag:$0x0] =	sbarrier.arrive $0xFFFF  }
0x128: {  	_ =	strace $0x90000047  }
0x129: {  	s0 =	stileid.u32;
	[bflag:$0x2] =	sbarrier.arrive $0xFFFF  }
0x12a: {  	p0 =	sne.s32 s0, $0x0;
	s0 =	rddreg [dreg:$0x3]  }
0x12b: {  	s0 =	sadd.s32 @!p0 $0x100000, s0  }
0x12c: {  	[sflag:s0] =	ssyncadd.tile.s32 @!p0 $0x1;
	_ =	shalt  }
.Lfunc_end2:
_tile_overlayer_lowered:
.L_overlay_start_2:
0x12d: {  	(tag) =	ssettag $0x2  }
0x12e: {  	s0 =	rddreg [dreg:$0x0];
	s2 =	stileid.u32  }
0x12f: {  	s1 =	rddreg [dreg:$0x1];
	p0 =	sne.s32 s2, $0x0  }
0x130: {  	s3 =	rddreg [dreg:$0x2];
	[bflag:$0x3] =	sbarrier.arrive $0xFFFF;
	s2 =	simm.s32 @!p0 $0x1C08  }
0x131: {  	[timem:s3], [sflag:s2] =	dma.local @!p0 [hbm:s0], s1  }
0x132: {  	s0 =	simm.s32 @!p0 $0x8  }
0x133: {  	_ =	swait.ge @!p0 [sflag:s0], s1  }
0x134: {  	s1 =	ssub.s32 @!p0 $0x0, s1;
	[sflag:s0] =	ssyncset.done @!p0 $0x0  }
0x135: {  	[sflag:s0] =	ssyncadd.s32 @!p0 s1  }
0x136: {  	[bflag:$0x3] =	sbarrier.arrive $0xFFFF  }
0x137: {  	_ =	shalt  }

</sc_bundles>
